<compile_context>
chip_gen: v7x
topology: tpu7x:2x2x1
jax: 0.10.2.dev20260603
libtpu: 0.0.44.dev20260713+nightly
codegen_flags: <defaults>
</compile_context>

<pallas_src>
import functools

import jax
import jax.numpy as jnp
from jax import lax
from jax.experimental import pallas as pl
from jax.experimental.pallas import tpu as pltpu
from jax.experimental.pallas import tpu_sc as plsc

NBPS = 4
CLIP = 20.0
NC, NS = 2, 16
NW = NC * NS


def _build(B, K, S):
    bpw = B // NW
    mesh = plsc.VectorSubcoreMesh(core_axis_name="c", subcore_axis_name="s",
                                  num_cores=NC, num_subcores=NS)

    @functools.partial(
        pl.kernel,
        out_type=jax.ShapeDtypeStruct((B, S, NBPS), jnp.float32),
        mesh=mesh,
        scratch_types=[
            pltpu.VMEM((bpw, K, S), jnp.int32),
            pltpu.VMEM((bpw, K), jnp.float32),
            pltpu.VMEM((bpw, S, NBPS), jnp.float32),
            pltpu.VMEM((24,), jnp.float32),
        ],
        compiler_params=pltpu.CompilerParams(needs_layout_passes=False,
                                             use_tc_tiling_on_sc=False),
    )
    def llr_kernel(pi_hbm, d_hbm, out_hbm, pi_v, d_v, out_v, fold_v):
        wid = lax.axis_index("s") * NC + lax.axis_index("c")
        base = wid * bpw
        pltpu.sync_copy(pi_hbm.at[pl.ds(base, bpw)], pi_v)
        pltpu.sync_copy(d_hbm.at[pl.ds(base, bpw)], d_v)

        iota = lax.iota(jnp.int32, 16)
        hi = iota >> 3
        lane_s = iota & 7
        lane_lt8 = iota < 8
        inf = jnp.full((16,), jnp.inf, jnp.float32)
        splat_i = [jnp.full((16,), i, jnp.int32) for i in range(NBPS)]

        UNROLL = 4

        def row(b, carry):
            splat_b = jnp.zeros((16,), jnp.int32) + b

            def jstep(jc, accs):
                a0, a1 = list(accs[0]), list(accs[1])
                for u in range(UNROLL):
                    j = jc * UNROLL + u
                    ik = hi + 2 * j
                    v = plsc.load_gather(pi_v, [splat_b, ik, lane_s])
                    dj = plsc.load_gather(d_v, [splat_b, ik])
                    for i in range(NBPS):
                        m0 = (v & (8 >> i)) == 0
                        a0[i] = jnp.minimum(a0[i], jnp.where(m0, dj, inf))
                        a1[i] = jnp.minimum(a1[i], jnp.where(m0, inf, dj))
                return (tuple(a0), tuple(a1))

            a0, a1 = lax.fori_loop(0, K // 2 // UNROLL, jstep,
                                   ((inf,) * NBPS, (inf,) * NBPS))
            for i in range(NBPS):
                fold_v[pl.ds(0, 16)] = a0[i]
                f0 = jnp.minimum(a0[i], fold_v[pl.ds(8, 16)])
                fold_v[pl.ds(0, 16)] = a1[i]
                f1 = jnp.minimum(a1[i], fold_v[pl.ds(8, 16)])
                llr = jnp.clip((f0 - f1) * 0.5, -CLIP, CLIP)
                plsc.store_scatter(out_v, [splat_b, lane_s, splat_i[i]],
                                   llr, mask=lane_lt8)
            return carry

        lax.fori_loop(0, bpw, row, 0)
        pltpu.sync_copy(out_v, out_hbm.at[pl.ds(base, bpw)])

    return llr_kernel


def kernel(y, r, dists, path_inds, path_syms):
    B, K, S = path_inds.shape
    return _build(B, K, S)(path_inds, dists)

# --- scband reference (transcript-rebuilt; emitter-appended) ---
"""Pipeline reference for scband-list2-llrsimple-55018531062646 (READ-ONLY COPY).

The authoritative reference and input builder live on the scoring server;
editing this copy changes nothing except your own understanding.
"""

import jax, jax.numpy as jnp
import numpy as np

NUM_BITS_PER_SYMBOL = 4
LLR_CLIP_VAL = 20.0


def make_c0_c1(nbps):
    num_points = 2 ** nbps
    a = np.zeros([num_points, nbps])
    for i in range(num_points):
        a[i, :] = np.array(list(np.binary_repr(i, nbps)), dtype=np.int32)
    c0 = np.zeros([num_points // 2, nbps], dtype=np.int32)
    c1 = np.zeros([num_points // 2, nbps], dtype=np.int32)
    for i in range(nbps):
        c0[:, i] = np.where(a[:, i] == 0)[0]
        c1[:, i] = np.where(a[:, i] == 1)[0]
    return c0, c1


def setup_inputs(seed: int = 0) -> dict:
    key = jax.random.key(seed)
    k1, k2, k3, k4, k5 = jax.random.split(key, 5)
    B, S, K = 4096, 8, 64
    y = jax.random.normal(k1, (B, S), dtype=jnp.float32)
    r = jax.random.normal(k2, (B, S, S), dtype=jnp.float32)
    dists = jax.random.uniform(k3, (B, K), dtype=jnp.float32)
    path_inds = jax.random.randint(k4, (B, K, S), 0, 16, dtype=jnp.int32)
    path_syms = jax.random.normal(k5, (B, K, S), dtype=jnp.float32)
    return {"y": y, "r": r, "dists": dists, "path_inds": path_inds, "path_syms": path_syms}


def reference(y, r, dists, path_inds, path_syms):
    c0_np, c1_np = make_c0_c1(NUM_BITS_PER_SYMBOL)
    # expand_to_rank(..., 5, axis=0): [P/2, nbps] -> [1,1,1,P/2,nbps]
    c0 = jnp.asarray(c0_np)[None, None, None, :, :]
    c1 = jnp.asarray(c1_np)[None, None, None, :, :]
    # y is float -> real-valued channel, halve distances
    d = dists / 2.0
    # insert_dims(path_inds, 2, axis=-1): [B,K,S] -> [B,K,S,1,1]
    pi = path_inds[..., None, None]
    b0 = jnp.any(pi == c0, axis=-2)  # [B,K,S,nbps]
    b1 = jnp.any(pi == c1, axis=-2)
    # expand_to_rank(dists, rank(b0)=4, axis=-1): [B,K] -> [B,K,1,1]
    dd = d[..., None, None]
    inf = jnp.asarray(np.inf, dtype=dd.dtype)
    d0 = jnp.where(b0, dd, inf)
    d1 = jnp.where(b1, dd, inf)
    l0 = jnp.min(d0, axis=1)  # [B,S,nbps]
    l1 = jnp.min(d1, axis=1)
    llr = l0 - l1
    llr = jnp.clip(llr, -LLR_CLIP_VAL, LLR_CLIP_VAL)
    return llr

if __name__ == "__main__":
    import jax
    _d = setup_inputs()
    print(jax.jit(kernel)(*tuple(_d.values())))

</pallas_src>

<mosaic_0001>
#map = affine_map<(d0, d1) -> (0, 0, 0)>
#map1 = affine_map<(d0, d1) -> (0, 0)>
module attributes {stable_mosaic.version = 14 : i64} {
  func.func @llr_kernel(%arg0: i32, %arg1: i32, %arg2: memref<4096x64x8xi32, #tpu.memory_space<hbm>>, %arg3: memref<4096x64xf32, #tpu.memory_space<hbm>>, %arg4: memref<4096x8x4xf32, #tpu.memory_space<hbm>>, %arg5: memref<128x64x8xi32, #tpu.memory_space<vmem>>, %arg6: memref<128x64xf32, #tpu.memory_space<vmem>>, %arg7: memref<128x8x4xf32, #tpu.memory_space<vmem>>, %arg8: memref<24xf32, #tpu.memory_space<vmem>>) attributes {dimension_semantics = [#tpu.dimension_semantics<core_parallel>, #tpu.dimension_semantics<subcore_parallel>], iteration_bounds = array<i64: 2, 16>, scalar_prefetch = 0 : i64, scratch_operands = 4 : i64, tpu.core_type = #tpu.core_type<sc_vector_subcore>, window_params = [{transform_indices = #map}, {transform_indices = #map1}, {transform_indices = #map}]} {
    %mul3A = arith.constant 2 : i32
    %mul3A_0 = arith.muli %arg1, %mul3A : i32
    %add3A = arith.addi %mul3A_0, %arg0 : i32
    %mul3A_1 = arith.constant 128 : i32
    %mul3A_2 = arith.muli %add3A, %mul3A_1 : i32
    "tpu.region"() ({
      %run_scoped3A = tpu.sem_alloc : memref<!tpu.dma_semaphore, #tpu.memory_space<semaphore_mem>>
      %dma_start3A = arith.constant 0 : i32
      %dma_start3A_23 = arith.constant 0 : i32
      %dma_start3A_24 = tpu.memref_slice %arg2[%mul3A_2, %dma_start3A, %dma_start3A_23] : memref<4096x64x8xi32, #tpu.memory_space<hbm>> -> memref<128x64x8xi32, #tpu.memory_space<hbm>>
      %dma_start3A_25 = arith.constant 0 : i32
      %dma_start3A_26 = arith.constant 0 : i32
      %dma_start3A_27 = tpu.memref_slice %arg2[%mul3A_2, %dma_start3A_25, %dma_start3A_26] : memref<4096x64x8xi32, #tpu.memory_space<hbm>> -> memref<128x64x8xi32, #tpu.memory_space<hbm>>
      tpu.enqueue_dma source(%dma_start3A_27 : memref<128x64x8xi32, #tpu.memory_space<hbm>>) target(%arg5 : memref<128x64x8xi32, #tpu.memory_space<vmem>>) target_semaphore(%run_scoped3A : memref<!tpu.dma_semaphore, #tpu.memory_space<semaphore_mem>>)
      %dma_wait3A = arith.constant 0 : i32
      %dma_wait3A_28 = arith.constant 0 : i32
      %dma_wait3A_29 = tpu.memref_slice %arg2[%mul3A_2, %dma_wait3A, %dma_wait3A_28] : memref<4096x64x8xi32, #tpu.memory_space<hbm>> -> memref<128x64x8xi32, #tpu.memory_space<hbm>>
      %dma_wait3A_30 = arith.constant 0 : i32
      %dma_wait3A_31 = arith.constant 0 : i32
      %dma_wait3A_32 = tpu.memref_slice %arg2[%mul3A_2, %dma_wait3A_30, %dma_wait3A_31] : memref<4096x64x8xi32, #tpu.memory_space<hbm>> -> memref<128x64x8xi32, #tpu.memory_space<hbm>>
      tpu.wait_dma2 semaphore(%run_scoped3A : memref<!tpu.dma_semaphore, #tpu.memory_space<semaphore_mem>>) src(%dma_wait3A_32 : memref<128x64x8xi32, #tpu.memory_space<hbm>>) dst(%arg5 : memref<128x64x8xi32, #tpu.memory_space<vmem>>)
      tpu.yield
    }) : () -> ()
    "tpu.region"() ({
      %run_scoped3A = tpu.sem_alloc : memref<!tpu.dma_semaphore, #tpu.memory_space<semaphore_mem>>
      %dma_start3A = arith.constant 0 : i32
      %dma_start3A_23 = tpu.memref_slice %arg3[%mul3A_2, %dma_start3A] : memref<4096x64xf32, #tpu.memory_space<hbm>> -> memref<128x64xf32, #tpu.memory_space<hbm>>
      %dma_start3A_24 = arith.constant 0 : i32
      %dma_start3A_25 = tpu.memref_slice %arg3[%mul3A_2, %dma_start3A_24] : memref<4096x64xf32, #tpu.memory_space<hbm>> -> memref<128x64xf32, #tpu.memory_space<hbm>>
      tpu.enqueue_dma source(%dma_start3A_25 : memref<128x64xf32, #tpu.memory_space<hbm>>) target(%arg6 : memref<128x64xf32, #tpu.memory_space<vmem>>) target_semaphore(%run_scoped3A : memref<!tpu.dma_semaphore, #tpu.memory_space<semaphore_mem>>)
      %dma_wait3A = arith.constant 0 : i32
      %dma_wait3A_26 = tpu.memref_slice %arg3[%mul3A_2, %dma_wait3A] : memref<4096x64xf32, #tpu.memory_space<hbm>> -> memref<128x64xf32, #tpu.memory_space<hbm>>
      %dma_wait3A_27 = arith.constant 0 : i32
      %dma_wait3A_28 = tpu.memref_slice %arg3[%mul3A_2, %dma_wait3A_27] : memref<4096x64xf32, #tpu.memory_space<hbm>> -> memref<128x64xf32, #tpu.memory_space<hbm>>
      tpu.wait_dma2 semaphore(%run_scoped3A : memref<!tpu.dma_semaphore, #tpu.memory_space<semaphore_mem>>) src(%dma_wait3A_28 : memref<128x64xf32, #tpu.memory_space<hbm>>) dst(%arg6 : memref<128x64xf32, #tpu.memory_space<vmem>>)
      tpu.yield
    }) : () -> ()
    %iota3A = tpu.iota {dimensions = array<i32: 0>} : vector<16xi32>
    %shift_right_arithmetic3A = arith.constant 3 : i32
    %shift_right_arithmetic3A_3 = vector.broadcast %shift_right_arithmetic3A : i32 to vector<16xi32>
    %shift_right_arithmetic3A_4 = arith.shrsi %iota3A, %shift_right_arithmetic3A_3 : vector<16xi32>
    %and3A = arith.constant 7 : i32
    %and3A_5 = vector.broadcast %and3A : i32 to vector<16xi32>
    %and3A_6 = arith.andi %iota3A, %and3A_5 : vector<16xi32>
    %lt3A = arith.constant 8 : i32
    %lt3A_7 = vector.broadcast %lt3A : i32 to vector<16xi32>
    %lt3A_8 = arith.cmpi slt, %iota3A, %lt3A_7 : vector<16xi32>
    %broadcast_in_dim3A = arith.constant 0x7F800000 : f32
    %broadcast_in_dim3A_9 = vector.broadcast %broadcast_in_dim3A : f32 to vector<16xf32>
    %broadcast_in_dim3A_10 = arith.constant 0 : i32
    %broadcast_in_dim3A_11 = vector.broadcast %broadcast_in_dim3A_10 : i32 to vector<16xi32>
    %broadcast_in_dim3A_12 = arith.constant 1 : i32
    %broadcast_in_dim3A_13 = vector.broadcast %broadcast_in_dim3A_12 : i32 to vector<16xi32>
    %broadcast_in_dim3A_14 = arith.constant 2 : i32
    %broadcast_in_dim3A_15 = vector.broadcast %broadcast_in_dim3A_14 : i32 to vector<16xi32>
    %broadcast_in_dim3A_16 = arith.constant 3 : i32
    %broadcast_in_dim3A_17 = vector.broadcast %broadcast_in_dim3A_16 : i32 to vector<16xi32>
    %scan3A = arith.constant 0 : i32
    %scan3A_18 = arith.constant 0 : i32
    %scan3A_19 = arith.constant 128 : i32
    %scan3A_20 = arith.addi %scan3A_18, %scan3A_19 : i32
    %scan3A_21 = arith.constant 1 : i32
    scf.for %scan3A_23 = %scan3A_18 to %scan3A_20 step %scan3A_21  : i32 {
      %broadcast_in_dim3A_24 = arith.constant 0 : i32
      %broadcast_in_dim3A_25 = vector.broadcast %broadcast_in_dim3A_24 : i32 to vector<16xi32>
      %add3A_26 = vector.broadcast %scan3A_23 : i32 to vector<16xi32>
      %add3A_27 = arith.addi %broadcast_in_dim3A_25, %add3A_26 : vector<16xi32>
      %scan3A_28 = arith.constant 0 : i32
      %scan3A_29 = arith.constant 8 : i32
      %scan3A_30 = arith.addi %scan3A_28, %scan3A_29 : i32
      %scan3A_31 = arith.constant 1 : i32
      %scan3A_32:8 = scf.for %scan3A_108 = %scan3A_28 to %scan3A_30 step %scan3A_31 iter_args(%scan3A_109 = %broadcast_in_dim3A_9, %scan3A_110 = %broadcast_in_dim3A_9, %scan3A_111 = %broadcast_in_dim3A_9, %scan3A_112 = %broadcast_in_dim3A_9, %scan3A_113 = %broadcast_in_dim3A_9, %scan3A_114 = %broadcast_in_dim3A_9, %scan3A_115 = %broadcast_in_dim3A_9, %scan3A_116 = %broadcast_in_dim3A_9) -> (vector<16xf32>, vector<16xf32>, vector<16xf32>, vector<16xf32>, vector<16xf32>, vector<16xf32>, vector<16xf32>, vector<16xf32>)  : i32 {
        %mul3A_117 = arith.constant 4 : i32
        %mul3A_118 = arith.muli %scan3A_108, %mul3A_117 : i32
        %add3A_119 = arith.constant 0 : i32
        %add3A_120 = arith.addi %mul3A_118, %add3A_119 : i32
        %mul3A_121 = arith.constant 2 : i32
        %mul3A_122 = arith.muli %mul3A_121, %add3A_120 : i32
        %add3A_123 = vector.broadcast %mul3A_122 : i32 to vector<16xi32>
        %add3A_124 = arith.addi %shift_right_arithmetic3A_4, %add3A_123 : vector<16xi32>
        %gather3A = tpu.vector_load_idx %arg5[%add3A_27, %add3A_124, %and3A_6] : memref<128x64x8xi32, #tpu.memory_space<vmem>>[vector<16xi32>, vector<16xi32>, vector<16xi32>], vector<16xi32>,
        %gather3A_125 = tpu.vector_load_idx %arg6[%add3A_27, %add3A_124] : memref<128x64xf32, #tpu.memory_space<vmem>>[vector<16xi32>, vector<16xi32>], vector<16xf32>,
        %and3A_126 = arith.constant 8 : i32
        %and3A_127 = vector.broadcast %and3A_126 : i32 to vector<16xi32>
        %and3A_128 = arith.andi %gather3A, %and3A_127 : vector<16xi32>
        %eq3A = arith.constant 0 : i32
        %eq3A_129 = vector.broadcast %eq3A : i32 to vector<16xi32>
        %eq3A_130 = arith.cmpi eq, %and3A_128, %eq3A_129 : vector<16xi32>
        %select_n3A = arith.select %eq3A_130, %gather3A_125, %broadcast_in_dim3A_9 : vector<16xi1>, vector<16xf32>
        %min3A_131 = arith.minimumf %scan3A_109, %select_n3A : vector<16xf32>
        %select_n3A_132 = arith.select %eq3A_130, %broadcast_in_dim3A_9, %gather3A_125 : vector<16xi1>, vector<16xf32>
        %min3A_133 = arith.minimumf %scan3A_113, %select_n3A_132 : vector<16xf32>
        %and3A_134 = arith.constant 4 : i32
        %and3A_135 = vector.broadcast %and3A_134 : i32 to vector<16xi32>
        %and3A_136 = arith.andi %gather3A, %and3A_135 : vector<16xi32>
        %eq3A_137 = arith.constant 0 : i32
        %eq3A_138 = vector.broadcast %eq3A_137 : i32 to vector<16xi32>
        %eq3A_139 = arith.cmpi eq, %and3A_136, %eq3A_138 : vector<16xi32>
        %select_n3A_140 = arith.select %eq3A_139, %gather3A_125, %broadcast_in_dim3A_9 : vector<16xi1>, vector<16xf32>
        %min3A_141 = arith.minimumf %scan3A_110, %select_n3A_140 : vector<16xf32>
        %select_n3A_142 = arith.select %eq3A_139, %broadcast_in_dim3A_9, %gather3A_125 : vector<16xi1>, vector<16xf32>
        %min3A_143 = arith.minimumf %scan3A_114, %select_n3A_142 : vector<16xf32>
        %and3A_144 = arith.constant 2 : i32
        %and3A_145 = vector.broadcast %and3A_144 : i32 to vector<16xi32>
        %and3A_146 = arith.andi %gather3A, %and3A_145 : vector<16xi32>
        %eq3A_147 = arith.constant 0 : i32
        %eq3A_148 = vector.broadcast %eq3A_147 : i32 to vector<16xi32>
        %eq3A_149 = arith.cmpi eq, %and3A_146, %eq3A_148 : vector<16xi32>
        %select_n3A_150 = arith.select %eq3A_149, %gather3A_125, %broadcast_in_dim3A_9 : vector<16xi1>, vector<16xf32>
        %min3A_151 = arith.minimumf %scan3A_111, %select_n3A_150 : vector<16xf32>
        %select_n3A_152 = arith.select %eq3A_149, %broadcast_in_dim3A_9, %gather3A_125 : vector<16xi1>, vector<16xf32>
        %min3A_153 = arith.minimumf %scan3A_115, %select_n3A_152 : vector<16xf32>
        %and3A_154 = arith.constant 1 : i32
        %and3A_155 = vector.broadcast %and3A_154 : i32 to vector<16xi32>
        %and3A_156 = arith.andi %gather3A, %and3A_155 : vector<16xi32>
        %eq3A_157 = arith.constant 0 : i32
        %eq3A_158 = vector.broadcast %eq3A_157 : i32 to vector<16xi32>
        %eq3A_159 = arith.cmpi eq, %and3A_156, %eq3A_158 : vector<16xi32>
        %select_n3A_160 = arith.select %eq3A_159, %gather3A_125, %broadcast_in_dim3A_9 : vector<16xi1>, vector<16xf32>
        %min3A_161 = arith.minimumf %scan3A_112, %select_n3A_160 : vector<16xf32>
        %select_n3A_162 = arith.select %eq3A_159, %broadcast_in_dim3A_9, %gather3A_125 : vector<16xi1>, vector<16xf32>
        %min3A_163 = arith.minimumf %scan3A_116, %select_n3A_162 : vector<16xf32>
        %mul3A_164 = arith.constant 4 : i32
        %mul3A_165 = arith.muli %scan3A_108, %mul3A_164 : i32
        %add3A_166 = arith.constant 1 : i32
        %add3A_167 = arith.addi %mul3A_165, %add3A_166 : i32
        %mul3A_168 = arith.constant 2 : i32
        %mul3A_169 = arith.muli %mul3A_168, %add3A_167 : i32
        %add3A_170 = vector.broadcast %mul3A_169 : i32 to vector<16xi32>
        %add3A_171 = arith.addi %shift_right_arithmetic3A_4, %add3A_170 : vector<16xi32>
        %gather3A_172 = tpu.vector_load_idx %arg5[%add3A_27, %add3A_171, %and3A_6] : memref<128x64x8xi32, #tpu.memory_space<vmem>>[vector<16xi32>, vector<16xi32>, vector<16xi32>], vector<16xi32>,
        %gather3A_173 = tpu.vector_load_idx %arg6[%add3A_27, %add3A_171] : memref<128x64xf32, #tpu.memory_space<vmem>>[vector<16xi32>, vector<16xi32>], vector<16xf32>,
        %and3A_174 = arith.constant 8 : i32
        %and3A_175 = vector.broadcast %and3A_174 : i32 to vector<16xi32>
        %and3A_176 = arith.andi %gather3A_172, %and3A_175 : vector<16xi32>
        %eq3A_177 = arith.constant 0 : i32
        %eq3A_178 = vector.broadcast %eq3A_177 : i32 to vector<16xi32>
        %eq3A_179 = arith.cmpi eq, %and3A_176, %eq3A_178 : vector<16xi32>
        %select_n3A_180 = arith.select %eq3A_179, %gather3A_173, %broadcast_in_dim3A_9 : vector<16xi1>, vector<16xf32>
        %min3A_181 = arith.minimumf %min3A_131, %select_n3A_180 : vector<16xf32>
        %select_n3A_182 = arith.select %eq3A_179, %broadcast_in_dim3A_9, %gather3A_173 : vector<16xi1>, vector<16xf32>
        %min3A_183 = arith.minimumf %min3A_133, %select_n3A_182 : vector<16xf32>
        %and3A_184 = arith.constant 4 : i32
        %and3A_185 = vector.broadcast %and3A_184 : i32 to vector<16xi32>
        %and3A_186 = arith.andi %gather3A_172, %and3A_185 : vector<16xi32>
        %eq3A_187 = arith.constant 0 : i32
        %eq3A_188 = vector.broadcast %eq3A_187 : i32 to vector<16xi32>
        %eq3A_189 = arith.cmpi eq, %and3A_186, %eq3A_188 : vector<16xi32>
        %select_n3A_190 = arith.select %eq3A_189, %gather3A_173, %broadcast_in_dim3A_9 : vector<16xi1>, vector<16xf32>
        %min3A_191 = arith.minimumf %min3A_141, %select_n3A_190 : vector<16xf32>
        %select_n3A_192 = arith.select %eq3A_189, %broadcast_in_dim3A_9, %gather3A_173 : vector<16xi1>, vector<16xf32>
        %min3A_193 = arith.minimumf %min3A_143, %select_n3A_192 : vector<16xf32>
        %and3A_194 = arith.constant 2 : i32
        %and3A_195 = vector.broadcast %and3A_194 : i32 to vector<16xi32>
        %and3A_196 = arith.andi %gather3A_172, %and3A_195 : vector<16xi32>
        %eq3A_197 = arith.constant 0 : i32
        %eq3A_198 = vector.broadcast %eq3A_197 : i32 to vector<16xi32>
        %eq3A_199 = arith.cmpi eq, %and3A_196, %eq3A_198 : vector<16xi32>
        %select_n3A_200 = arith.select %eq3A_199, %gather3A_173, %broadcast_in_dim3A_9 : vector<16xi1>, vector<16xf32>
        %min3A_201 = arith.minimumf %min3A_151, %select_n3A_200 : vector<16xf32>
        %select_n3A_202 = arith.select %eq3A_199, %broadcast_in_dim3A_9, %gather3A_173 : vector<16xi1>, vector<16xf32>
        %min3A_203 = arith.minimumf %min3A_153, %select_n3A_202 : vector<16xf32>
        %and3A_204 = arith.constant 1 : i32
        %and3A_205 = vector.broadcast %and3A_204 : i32 to vector<16xi32>
        %and3A_206 = arith.andi %gather3A_172, %and3A_205 : vector<16xi32>
        %eq3A_207 = arith.constant 0 : i32
        %eq3A_208 = vector.broadcast %eq3A_207 : i32 to vector<16xi32>
        %eq3A_209 = arith.cmpi eq, %and3A_206, %eq3A_208 : vector<16xi32>
        %select_n3A_210 = arith.select %eq3A_209, %gather3A_173, %broadcast_in_dim3A_9 : vector<16xi1>, vector<16xf32>
        %min3A_211 = arith.minimumf %min3A_161, %select_n3A_210 : vector<16xf32>
        %select_n3A_212 = arith.select %eq3A_209, %broadcast_in_dim3A_9, %gather3A_173 : vector<16xi1>, vector<16xf32>
        %min3A_213 = arith.minimumf %min3A_163, %select_n3A_212 : vector<16xf32>
        %mul3A_214 = arith.constant 4 : i32
        %mul3A_215 = arith.muli %scan3A_108, %mul3A_214 : i32
        %add3A_216 = arith.constant 2 : i32
        %add3A_217 = arith.addi %mul3A_215, %add3A_216 : i32
        %mul3A_218 = arith.constant 2 : i32
        %mul3A_219 = arith.muli %mul3A_218, %add3A_217 : i32
        %add3A_220 = vector.broadcast %mul3A_219 : i32 to vector<16xi32>
        %add3A_221 = arith.addi %shift_right_arithmetic3A_4, %add3A_220 : vector<16xi32>
        %gather3A_222 = tpu.vector_load_idx %arg5[%add3A_27, %add3A_221, %and3A_6] : memref<128x64x8xi32, #tpu.memory_space<vmem>>[vector<16xi32>, vector<16xi32>, vector<16xi32>], vector<16xi32>,
        %gather3A_223 = tpu.vector_load_idx %arg6[%add3A_27, %add3A_221] : memref<128x64xf32, #tpu.memory_space<vmem>>[vector<16xi32>, vector<16xi32>], vector<16xf32>,
        %and3A_224 = arith.constant 8 : i32
        %and3A_225 = vector.broadcast %and3A_224 : i32 to vector<16xi32>
        %and3A_226 = arith.andi %gather3A_222, %and3A_225 : vector<16xi32>
        %eq3A_227 = arith.constant 0 : i32
        %eq3A_228 = vector.broadcast %eq3A_227 : i32 to vector<16xi32>
        %eq3A_229 = arith.cmpi eq, %and3A_226, %eq3A_228 : vector<16xi32>
        %select_n3A_230 = arith.select %eq3A_229, %gather3A_223, %broadcast_in_dim3A_9 : vector<16xi1>, vector<16xf32>
        %min3A_231 = arith.minimumf %min3A_181, %select_n3A_230 : vector<16xf32>
        %select_n3A_232 = arith.select %eq3A_229, %broadcast_in_dim3A_9, %gather3A_223 : vector<16xi1>, vector<16xf32>
        %min3A_233 = arith.minimumf %min3A_183, %select_n3A_232 : vector<16xf32>
        %and3A_234 = arith.constant 4 : i32
        %and3A_235 = vector.broadcast %and3A_234 : i32 to vector<16xi32>
        %and3A_236 = arith.andi %gather3A_222, %and3A_235 : vector<16xi32>
        %eq3A_237 = arith.constant 0 : i32
        %eq3A_238 = vector.broadcast %eq3A_237 : i32 to vector<16xi32>
        %eq3A_239 = arith.cmpi eq, %and3A_236, %eq3A_238 : vector<16xi32>
        %select_n3A_240 = arith.select %eq3A_239, %gather3A_223, %broadcast_in_dim3A_9 : vector<16xi1>, vector<16xf32>
        %min3A_241 = arith.minimumf %min3A_191, %select_n3A_240 : vector<16xf32>
        %select_n3A_242 = arith.select %eq3A_239, %broadcast_in_dim3A_9, %gather3A_223 : vector<16xi1>, vector<16xf32>
        %min3A_243 = arith.minimumf %min3A_193, %select_n3A_242 : vector<16xf32>
        %and3A_244 = arith.constant 2 : i32
        %and3A_245 = vector.broadcast %and3A_244 : i32 to vector<16xi32>
        %and3A_246 = arith.andi %gather3A_222, %and3A_245 : vector<16xi32>
        %eq3A_247 = arith.constant 0 : i32
        %eq3A_248 = vector.broadcast %eq3A_247 : i32 to vector<16xi32>
        %eq3A_249 = arith.cmpi eq, %and3A_246, %eq3A_248 : vector<16xi32>
        %select_n3A_250 = arith.select %eq3A_249, %gather3A_223, %broadcast_in_dim3A_9 : vector<16xi1>, vector<16xf32>
        %min3A_251 = arith.minimumf %min3A_201, %select_n3A_250 : vector<16xf32>
        %select_n3A_252 = arith.select %eq3A_249, %broadcast_in_dim3A_9, %gather3A_223 : vector<16xi1>, vector<16xf32>
        %min3A_253 = arith.minimumf %min3A_203, %select_n3A_252 : vector<16xf32>
        %and3A_254 = arith.constant 1 : i32
        %and3A_255 = vector.broadcast %and3A_254 : i32 to vector<16xi32>
        %and3A_256 = arith.andi %gather3A_222, %and3A_255 : vector<16xi32>
        %eq3A_257 = arith.constant 0 : i32
        %eq3A_258 = vector.broadcast %eq3A_257 : i32 to vector<16xi32>
        %eq3A_259 = arith.cmpi eq, %and3A_256, %eq3A_258 : vector<16xi32>
        %select_n3A_260 = arith.select %eq3A_259, %gather3A_223, %broadcast_in_dim3A_9 : vector<16xi1>, vector<16xf32>
        %min3A_261 = arith.minimumf %min3A_211, %select_n3A_260 : vector<16xf32>
        %select_n3A_262 = arith.select %eq3A_259, %broadcast_in_dim3A_9, %gather3A_223 : vector<16xi1>, vector<16xf32>
        %min3A_263 = arith.minimumf %min3A_213, %select_n3A_262 : vector<16xf32>
        %mul3A_264 = arith.constant 4 : i32
        %mul3A_265 = arith.muli %scan3A_108, %mul3A_264 : i32
        %add3A_266 = arith.constant 3 : i32
        %add3A_267 = arith.addi %mul3A_265, %add3A_266 : i32
        %mul3A_268 = arith.constant 2 : i32
        %mul3A_269 = arith.muli %mul3A_268, %add3A_267 : i32
        %add3A_270 = vector.broadcast %mul3A_269 : i32 to vector<16xi32>
        %add3A_271 = arith.addi %shift_right_arithmetic3A_4, %add3A_270 : vector<16xi32>
        %gather3A_272 = tpu.vector_load_idx %arg5[%add3A_27, %add3A_271, %and3A_6] : memref<128x64x8xi32, #tpu.memory_space<vmem>>[vector<16xi32>, vector<16xi32>, vector<16xi32>], vector<16xi32>,
        %gather3A_273 = tpu.vector_load_idx %arg6[%add3A_27, %add3A_271] : memref<128x64xf32, #tpu.memory_space<vmem>>[vector<16xi32>, vector<16xi32>], vector<16xf32>,
        %and3A_274 = arith.constant 8 : i32
        %and3A_275 = vector.broadcast %and3A_274 : i32 to vector<16xi32>
        %and3A_276 = arith.andi %gather3A_272, %and3A_275 : vector<16xi32>
        %eq3A_277 = arith.constant 0 : i32
        %eq3A_278 = vector.broadcast %eq3A_277 : i32 to vector<16xi32>
        %eq3A_279 = arith.cmpi eq, %and3A_276, %eq3A_278 : vector<16xi32>
        %select_n3A_280 = arith.select %eq3A_279, %gather3A_273, %broadcast_in_dim3A_9 : vector<16xi1>, vector<16xf32>
        %min3A_281 = arith.minimumf %min3A_231, %select_n3A_280 : vector<16xf32>
        %select_n3A_282 = arith.select %eq3A_279, %broadcast_in_dim3A_9, %gather3A_273 : vector<16xi1>, vector<16xf32>
        %min3A_283 = arith.minimumf %min3A_233, %select_n3A_282 : vector<16xf32>
        %and3A_284 = arith.constant 4 : i32
        %and3A_285 = vector.broadcast %and3A_284 : i32 to vector<16xi32>
        %and3A_286 = arith.andi %gather3A_272, %and3A_285 : vector<16xi32>
        %eq3A_287 = arith.constant 0 : i32
        %eq3A_288 = vector.broadcast %eq3A_287 : i32 to vector<16xi32>
        %eq3A_289 = arith.cmpi eq, %and3A_286, %eq3A_288 : vector<16xi32>
        %select_n3A_290 = arith.select %eq3A_289, %gather3A_273, %broadcast_in_dim3A_9 : vector<16xi1>, vector<16xf32>
        %min3A_291 = arith.minimumf %min3A_241, %select_n3A_290 : vector<16xf32>
        %select_n3A_292 = arith.select %eq3A_289, %broadcast_in_dim3A_9, %gather3A_273 : vector<16xi1>, vector<16xf32>
        %min3A_293 = arith.minimumf %min3A_243, %select_n3A_292 : vector<16xf32>
        %and3A_294 = arith.constant 2 : i32
        %and3A_295 = vector.broadcast %and3A_294 : i32 to vector<16xi32>
        %and3A_296 = arith.andi %gather3A_272, %and3A_295 : vector<16xi32>
        %eq3A_297 = arith.constant 0 : i32
        %eq3A_298 = vector.broadcast %eq3A_297 : i32 to vector<16xi32>
        %eq3A_299 = arith.cmpi eq, %and3A_296, %eq3A_298 : vector<16xi32>
        %select_n3A_300 = arith.select %eq3A_299, %gather3A_273, %broadcast_in_dim3A_9 : vector<16xi1>, vector<16xf32>
        %min3A_301 = arith.minimumf %min3A_251, %select_n3A_300 : vector<16xf32>
        %select_n3A_302 = arith.select %eq3A_299, %broadcast_in_dim3A_9, %gather3A_273 : vector<16xi1>, vector<16xf32>
        %min3A_303 = arith.minimumf %min3A_253, %select_n3A_302 : vector<16xf32>
        %and3A_304 = arith.constant 1 : i32
        %and3A_305 = vector.broadcast %and3A_304 : i32 to vector<16xi32>
        %and3A_306 = arith.andi %gather3A_272, %and3A_305 : vector<16xi32>
        %eq3A_307 = arith.constant 0 : i32
        %eq3A_308 = vector.broadcast %eq3A_307 : i32 to vector<16xi32>
        %eq3A_309 = arith.cmpi eq, %and3A_306, %eq3A_308 : vector<16xi32>
        %select_n3A_310 = arith.select %eq3A_309, %gather3A_273, %broadcast_in_dim3A_9 : vector<16xi1>, vector<16xf32>
        %min3A_311 = arith.minimumf %min3A_261, %select_n3A_310 : vector<16xf32>
        %select_n3A_312 = arith.select %eq3A_309, %broadcast_in_dim3A_9, %gather3A_273 : vector<16xi1>, vector<16xf32>
        %min3A_313 = arith.minimumf %min3A_263, %select_n3A_312 : vector<16xf32>
        scf.yield %min3A_281, %min3A_291, %min3A_301, %min3A_311, %min3A_283, %min3A_293, %min3A_303, %min3A_313 : vector<16xf32>, vector<16xf32>, vector<16xf32>, vector<16xf32>, vector<16xf32>, vector<16xf32>, vector<16xf32>, vector<16xf32>
      }
      %scan3A_33 = arith.constant 8 : i32
      %swap3A = arith.constant 0 : index
      %swap3A_34 = tpu.vector_load %arg8[%swap3A] {strides = array<i32>} : memref<24xf32, #tpu.memory_space<vmem>>, vector<16xf32>,
      tpu.vector_store %arg8[%swap3A], %scan3A_32#0 {strides = array<i32>} : memref<24xf32, #tpu.memory_space<vmem>>, vector<16xf32>,
      %get3A = arith.constant 8 : index
      %get3A_35 = tpu.vector_load %arg8[%get3A] {strides = array<i32>} : memref<24xf32, #tpu.memory_space<vmem>>, vector<16xf32>,
      %min3A = arith.minimumf %scan3A_32#0, %get3A_35 : vector<16xf32>
      %swap3A_36 = arith.constant 0 : index
      %swap3A_37 = tpu.vector_load %arg8[%swap3A_36] {strides = array<i32>} : memref<24xf32, #tpu.memory_space<vmem>>, vector<16xf32>,
      tpu.vector_store %arg8[%swap3A_36], %scan3A_32#4 {strides = array<i32>} : memref<24xf32, #tpu.memory_space<vmem>>, vector<16xf32>,
      %get3A_38 = arith.constant 8 : index
      %get3A_39 = tpu.vector_load %arg8[%get3A_38] {strides = array<i32>} : memref<24xf32, #tpu.memory_space<vmem>>, vector<16xf32>,
      %min3A_40 = arith.minimumf %scan3A_32#4, %get3A_39 : vector<16xf32>
      %sub3A = arith.subf %min3A, %min3A_40 : vector<16xf32>
      %mul3A_41 = arith.constant 5.000000e-01 : f32
      %mul3A_42 = vector.broadcast %mul3A_41 : f32 to vector<16xf32>
      %mul3A_43 = arith.mulf %sub3A, %mul3A_42 : vector<16xf32>
      %jit3A = arith.constant -2.000000e+01 : f32
      %jit3A_44 = arith.constant 2.000000e+01 : f32
      %max3A = vector.broadcast %jit3A : f32 to vector<16xf32>
      %max3A_45 = arith.maximumf %max3A, %mul3A_43 : vector<16xf32>
      %min3A_46 = vector.broadcast %jit3A_44 : f32 to vector<16xf32>
      %min3A_47 = arith.minimumf %min3A_46, %max3A_45 : vector<16xf32>
      tpu.vector_store_idx %arg7[%add3A_27, %and3A_6, %broadcast_in_dim3A_11], %min3A_47 masked %lt3A_8 : memref<128x8x4xf32, #tpu.memory_space<vmem>>[vector<16xi32>, vector<16xi32>, vector<16xi32>], vector<16xf32>, vector<16xi1>
      %swap3A_48 = arith.constant 0 : index
      %swap3A_49 = tpu.vector_load %arg8[%swap3A_48] {strides = array<i32>} : memref<24xf32, #tpu.memory_space<vmem>>, vector<16xf32>,
      tpu.vector_store %arg8[%swap3A_48], %scan3A_32#1 {strides = array<i32>} : memref<24xf32, #tpu.memory_space<vmem>>, vector<16xf32>,
      %get3A_50 = arith.constant 8 : index
      %get3A_51 = tpu.vector_load %arg8[%get3A_50] {strides = array<i32>} : memref<24xf32, #tpu.memory_space<vmem>>, vector<16xf32>,
      %min3A_52 = arith.minimumf %scan3A_32#1, %get3A_51 : vector<16xf32>
      %swap3A_53 = arith.constant 0 : index
      %swap3A_54 = tpu.vector_load %arg8[%swap3A_53] {strides = array<i32>} : memref<24xf32, #tpu.memory_space<vmem>>, vector<16xf32>,
      tpu.vector_store %arg8[%swap3A_53], %scan3A_32#5 {strides = array<i32>} : memref<24xf32, #tpu.memory_space<vmem>>, vector<16xf32>,
      %get3A_55 = arith.constant 8 : index
      %get3A_56 = tpu.vector_load %arg8[%get3A_55] {strides = array<i32>} : memref<24xf32, #tpu.memory_space<vmem>>, vector<16xf32>,
      %min3A_57 = arith.minimumf %scan3A_32#5, %get3A_56 : vector<16xf32>
      %sub3A_58 = arith.subf %min3A_52, %min3A_57 : vector<16xf32>
      %mul3A_59 = arith.constant 5.000000e-01 : f32
      %mul3A_60 = vector.broadcast %mul3A_59 : f32 to vector<16xf32>
      %mul3A_61 = arith.mulf %sub3A_58, %mul3A_60 : vector<16xf32>
      %jit3A_62 = arith.constant -2.000000e+01 : f32
      %jit3A_63 = arith.constant 2.000000e+01 : f32
      %max3A_64 = vector.broadcast %jit3A_62 : f32 to vector<16xf32>
      %max3A_65 = arith.maximumf %max3A_64, %mul3A_61 : vector<16xf32>
      %min3A_66 = vector.broadcast %jit3A_63 : f32 to vector<16xf32>
      %min3A_67 = arith.minimumf %min3A_66, %max3A_65 : vector<16xf32>
      tpu.vector_store_idx %arg7[%add3A_27, %and3A_6, %broadcast_in_dim3A_13], %min3A_67 masked %lt3A_8 : memref<128x8x4xf32, #tpu.memory_space<vmem>>[vector<16xi32>, vector<16xi32>, vector<16xi32>], vector<16xf32>, vector<16xi1>
      %swap3A_68 = arith.constant 0 : index
      %swap3A_69 = tpu.vector_load %arg8[%swap3A_68] {strides = array<i32>} : memref<24xf32, #tpu.memory_space<vmem>>, vector<16xf32>,
      tpu.vector_store %arg8[%swap3A_68], %scan3A_32#2 {strides = array<i32>} : memref<24xf32, #tpu.memory_space<vmem>>, vector<16xf32>,
      %get3A_70 = arith.constant 8 : index
      %get3A_71 = tpu.vector_load %arg8[%get3A_70] {strides = array<i32>} : memref<24xf32, #tpu.memory_space<vmem>>, vector<16xf32>,
      %min3A_72 = arith.minimumf %scan3A_32#2, %get3A_71 : vector<16xf32>
      %swap3A_73 = arith.constant 0 : index
      %swap3A_74 = tpu.vector_load %arg8[%swap3A_73] {strides = array<i32>} : memref<24xf32, #tpu.memory_space<vmem>>, vector<16xf32>,
      tpu.vector_store %arg8[%swap3A_73], %scan3A_32#6 {strides = array<i32>} : memref<24xf32, #tpu.memory_space<vmem>>, vector<16xf32>,
      %get3A_75 = arith.constant 8 : index
      %get3A_76 = tpu.vector_load %arg8[%get3A_75] {strides = array<i32>} : memref<24xf32, #tpu.memory_space<vmem>>, vector<16xf32>,
      %min3A_77 = arith.minimumf %scan3A_32#6, %get3A_76 : vector<16xf32>
      %sub3A_78 = arith.subf %min3A_72, %min3A_77 : vector<16xf32>
      %mul3A_79 = arith.constant 5.000000e-01 : f32
      %mul3A_80 = vector.broadcast %mul3A_79 : f32 to vector<16xf32>
      %mul3A_81 = arith.mulf %sub3A_78, %mul3A_80 : vector<16xf32>
      %jit3A_82 = arith.constant -2.000000e+01 : f32
      %jit3A_83 = arith.constant 2.000000e+01 : f32
      %max3A_84 = vector.broadcast %jit3A_82 : f32 to vector<16xf32>
      %max3A_85 = arith.maximumf %max3A_84, %mul3A_81 : vector<16xf32>
      %min3A_86 = vector.broadcast %jit3A_83 : f32 to vector<16xf32>
      %min3A_87 = arith.minimumf %min3A_86, %max3A_85 : vector<16xf32>
      tpu.vector_store_idx %arg7[%add3A_27, %and3A_6, %broadcast_in_dim3A_15], %min3A_87 masked %lt3A_8 : memref<128x8x4xf32, #tpu.memory_space<vmem>>[vector<16xi32>, vector<16xi32>, vector<16xi32>], vector<16xf32>, vector<16xi1>
      %swap3A_88 = arith.constant 0 : index
      %swap3A_89 = tpu.vector_load %arg8[%swap3A_88] {strides = array<i32>} : memref<24xf32, #tpu.memory_space<vmem>>, vector<16xf32>,
      tpu.vector_store %arg8[%swap3A_88], %scan3A_32#3 {strides = array<i32>} : memref<24xf32, #tpu.memory_space<vmem>>, vector<16xf32>,
      %get3A_90 = arith.constant 8 : index
      %get3A_91 = tpu.vector_load %arg8[%get3A_90] {strides = array<i32>} : memref<24xf32, #tpu.memory_space<vmem>>, vector<16xf32>,
      %min3A_92 = arith.minimumf %scan3A_32#3, %get3A_91 : vector<16xf32>
      %swap3A_93 = arith.constant 0 : index
      %swap3A_94 = tpu.vector_load %arg8[%swap3A_93] {strides = array<i32>} : memref<24xf32, #tpu.memory_space<vmem>>, vector<16xf32>,
      tpu.vector_store %arg8[%swap3A_93], %scan3A_32#7 {strides = array<i32>} : memref<24xf32, #tpu.memory_space<vmem>>, vector<16xf32>,
      %get3A_95 = arith.constant 8 : index
      %get3A_96 = tpu.vector_load %arg8[%get3A_95] {strides = array<i32>} : memref<24xf32, #tpu.memory_space<vmem>>, vector<16xf32>,
      %min3A_97 = arith.minimumf %scan3A_32#7, %get3A_96 : vector<16xf32>
      %sub3A_98 = arith.subf %min3A_92, %min3A_97 : vector<16xf32>
      %mul3A_99 = arith.constant 5.000000e-01 : f32
      %mul3A_100 = vector.broadcast %mul3A_99 : f32 to vector<16xf32>
      %mul3A_101 = arith.mulf %sub3A_98, %mul3A_100 : vector<16xf32>
      %jit3A_102 = arith.constant -2.000000e+01 : f32
      %jit3A_103 = arith.constant 2.000000e+01 : f32
      %max3A_104 = vector.broadcast %jit3A_102 : f32 to vector<16xf32>
      %max3A_105 = arith.maximumf %max3A_104, %mul3A_101 : vector<16xf32>
      %min3A_106 = vector.broadcast %jit3A_103 : f32 to vector<16xf32>
      %min3A_107 = arith.minimumf %min3A_106, %max3A_105 : vector<16xf32>
      tpu.vector_store_idx %arg7[%add3A_27, %and3A_6, %broadcast_in_dim3A_17], %min3A_107 masked %lt3A_8 : memref<128x8x4xf32, #tpu.memory_space<vmem>>[vector<16xi32>, vector<16xi32>, vector<16xi32>], vector<16xf32>, vector<16xi1>
    }
    %scan3A_22 = arith.constant 128 : i32
    "tpu.region"() ({
      %run_scoped3A = tpu.sem_alloc : memref<!tpu.dma_semaphore, #tpu.memory_space<semaphore_mem>>
      %dma_start3A = arith.constant 0 : i32
      %dma_start3A_23 = arith.constant 0 : i32
      %dma_start3A_24 = tpu.memref_slice %arg4[%mul3A_2, %dma_start3A, %dma_start3A_23] : memref<4096x8x4xf32, #tpu.memory_space<hbm>> -> memref<128x8x4xf32, #tpu.memory_space<hbm>>
      %dma_start3A_25 = arith.constant 0 : i32
      %dma_start3A_26 = arith.constant 0 : i32
      %dma_start3A_27 = tpu.memref_slice %arg4[%mul3A_2, %dma_start3A_25, %dma_start3A_26] : memref<4096x8x4xf32, #tpu.memory_space<hbm>> -> memref<128x8x4xf32, #tpu.memory_space<hbm>>
      tpu.enqueue_dma source(%arg7 : memref<128x8x4xf32, #tpu.memory_space<vmem>>) target(%dma_start3A_27 : memref<128x8x4xf32, #tpu.memory_space<hbm>>) target_semaphore(%run_scoped3A : memref<!tpu.dma_semaphore, #tpu.memory_space<semaphore_mem>>)
      %dma_wait3A = arith.constant 0 : i32
      %dma_wait3A_28 = arith.constant 0 : i32
      %dma_wait3A_29 = tpu.memref_slice %arg4[%mul3A_2, %dma_wait3A, %dma_wait3A_28] : memref<4096x8x4xf32, #tpu.memory_space<hbm>> -> memref<128x8x4xf32, #tpu.memory_space<hbm>>
      %dma_wait3A_30 = arith.constant 0 : i32
      %dma_wait3A_31 = arith.constant 0 : i32
      %dma_wait3A_32 = tpu.memref_slice %arg4[%mul3A_2, %dma_wait3A_30, %dma_wait3A_31] : memref<4096x8x4xf32, #tpu.memory_space<hbm>> -> memref<128x8x4xf32, #tpu.memory_space<hbm>>
      tpu.wait_dma2 semaphore(%run_scoped3A : memref<!tpu.dma_semaphore, #tpu.memory_space<semaphore_mem>>) src(%arg7 : memref<128x8x4xf32, #tpu.memory_space<vmem>>) dst(%dma_wait3A_32 : memref<128x8x4xf32, #tpu.memory_space<hbm>>)
      tpu.yield
    }) : () -> ()
    return
  }
}

</mosaic_0001>

<sc_bundles>
// kernel: kernel.3.cloned.1.call-start
scs
__scs_entry_jumppad:
0x0: {  	(pc) =	sbr.rel $0x88, $3  }
0x1: {  	(tag) =	ssettag $0x0;
	lr =	simm.s32 $0x1  }
0x2: {  	[smem:$0x3F9F] =	sst lr;
	_ =	strace $0xD0000000  }
0x3: {  	_ = 	snop  }
0x4: {  	_ = 	snop  }
0x5: {  	_ = 	snop  }
0x6: {  	_ = 	snop  }
0x7: {  	_ = 	snop  }
__scs_overlays_trampoline_lowered:
0x8: {  	[smem:$0x3FAE] =	sst s0  }
0x9: {  	[smem:$0x3FAF] =	sst s1  }
0xa: {  	[smem:$0x3FB0] =	sst s2  }
0xb: {  	[smem:$0x3FB1] =	sst s3  }
0xc: {  	[smem:$0x3FB2] =	sst s4  }
0xd: {  	[smem:$0x3FB3] =	sst s5  }
0xe: {  	[smem:$0x3FB4] =	sst s6  }
0xf: {  	[smem:$0x3FB5] =	sst s7  }
0x10: {  	[smem:$0x3FB6] =	sst s8  }
0x11: {  	[smem:$0x3FB7] =	sst s9;
	s0 =	simm.s32 @!p0 $0x0  }
0x12: {  	s1 =	sld [smem:$0x3F9D];
	s0 =	simm.s32 @p0 $0x1  }
0x13: {  	[smem:$0x3FB8] =	sst s0;
	s0 =	simm.s32 @!p1 $0x0  }
0x14: {  	s2 =	sld [smem:$0x3F9C];
	s0 =	simm.s32 @p1 $0x1  }
0x15: {  	[smem:$0x3FB9] =	sst s0;
	s0 =	simm.s32 @!p2 $0x0  }
0x16: {  	s3 =	sld [smem:$0x3FDB];
	s0 =	simm.s32 @p2 $0x1  }
0x17: {  	s4 =	simm.s32 $0x1BF5;
	[smem:$0x3FBB] =	sst s0  }
0x18: {  	s0 =	sld [smem:$0x3F9E];
	_ =	swait.ge [sflag:s4], $0x0  }
0x19: {  	s7 =	sld [smem:$0x3F9F]  }
0x1a: {  	s8 =	sadd.s32 $0xFFFFE003, lr  }
0x1b: {  	s9 =	sadd.s32 $0xFFFFFEF7, lr;
	s5 =	simm.s32 $0xFFFFFFFF;
	p2 =	slt.u32 s8, $0xFFFFF086  }
0x1c: {  	p1 =	slt.u32 s9, $0xF7A;
	s5 =	simm.s32 @!p2 $0x0  }
0x1d: {  	s5 =	simm.s32 @p1 $0x1;
	p0 =	seq.s32 s7, s2  }
0x1e: {  	s7 =	smul.u32 @!p0 $0xF7A, s2;
	p2 =	seq.s32 @!p0 s5, $0x0  }
0x1f: {  	s9 =	smul.u32 $0xF7A, s1;
	s8 =	simm.s32 @!p0 $0x1BF5;
	p2 =	por !p2, p0  }
0x20: {  	[sflag:s8] =	ssyncset.s32 @!p0 $0xFFFFF086;
	s6 =	sadd.s32 @!p0 s3, s7;
	s7 =	simm.s32 @!p0 $0x108  }
0x21: {  	s3 =	sadd.s32 s3, s9;
	s6 =	sadd.s32 @!p0 $0x88, s6;
	s7 =	simm.s32 @p2 $0x1082  }
0x22: {  	[simem:s7], [sflag:s8] =	dma.local @!p0 [hbm:s6], $0xF7A  }
0x23: {  	s9 =	sor.u32 $0xD0000000, s2;
	s6 =	simm.s32 $0x108;
	_ =	swait.ge @!p0 [sflag:s8], $0x0  }
0x24: {  	s3 =	sadd.s32 $0x88, s3;
	s6 =	simm.s32 @!p1 $0x1082;
	[sflag:s4] =	ssyncset.s32 $0xFFFFF086  }
0x25: {  	[simem:s6], [sflag:s4] =	dma.local [hbm:s3], $0xF7A  }
0x26: {  	[smem:$0x3F9F] =	sst s1;
	(tag) =	ssettag s2;
	_ =	strace s9  }
0x27: {  	s1 =	sld [smem:$0x3FAF]  }
0x28: {  	s2 =	sld [smem:$0x3FB0]  }
0x29: {  	s4 =	sld [smem:$0x3FB2]  }
0x2a: {  	p0 =	seq.s32 s5, $0x0;
	s5 =	sld [smem:$0x3FB3]  }
0x2b: {  	s6 =	sld [smem:$0x3FB4]  }
0x2c: {  	s7 =	sld [smem:$0x3FB5]  }
0x2d: {  	s3 =	simm.s32 $0x108;
	s8 =	sld [smem:$0x3FB6]  }
0x2e: {  	s3 =	simm.s32 @!p0 $0x1082;
	s9 =	sld [smem:$0x3FB7]  }
0x2f: {  	lr =	sadd.s32 s0, s3;
	s0 =	sld [smem:$0x3FAE]  }
0x30: {  	s3 =	sld [smem:$0x3FB1]  }
0x31: {  	[smem:$0x3FBA] =	sst s10  }
0x32: {  	s10 =	sld [smem:$0x3FB8];
	_ =	sdelay $0x3  }
0x33: {  	p0 =	seq.s32 s10, $0x1;
	s10 =	sld [smem:$0x3FBA];
	_ =	sdelay $0x3  }
0x34: {  	[smem:$0x3FBA] =	sst s10  }
0x35: {  	s10 =	sld [smem:$0x3FB9];
	_ =	sdelay $0x3  }
0x36: {  	p1 =	seq.s32 s10, $0x1;
	s10 =	sld [smem:$0x3FBA];
	_ =	sdelay $0x3  }
0x37: {  	[smem:$0x3FBA] =	sst s10  }
0x38: {  	s10 =	sld [smem:$0x3FBB]  }
0x39: {  	_ = 	snop;
	(pc) =	sbr.ind lr, $3  }
0x3a: {  	_ = 	snop  }
0x3b: {  	_ = 	snop  }
0x3c: {  	p2 =	seq.s32 s10, $0x1;
	s10 =	sld [smem:$0x3FBA]  }
0x3d: {  	_ =	shalt  }
0x3e: {  	_ =	shalt  }
0x3f: {  	_ =	shalt  }
0x40: {  	_ =	shalt  }
0x41: {  	_ =	shalt  }
0x42: {  	_ =	shalt  }
0x43: {  	_ =	shalt  }
0x44: {  	_ =	shalt  }
0x45: {  	_ =	shalt  }
0x46: {  	_ =	shalt  }
0x47: {  	_ =	shalt  }
0x48: {  	_ =	shalt  }
0x49: {  	_ =	shalt  }
0x4a: {  	_ =	shalt  }
0x4b: {  	_ =	shalt  }
0x4c: {  	_ =	shalt  }
0x4d: {  	_ =	shalt  }
0x4e: {  	_ =	shalt  }
0x4f: {  	_ =	shalt  }
0x50: {  	_ =	shalt  }
0x51: {  	_ =	shalt  }
0x52: {  	_ =	shalt  }
0x53: {  	_ =	shalt  }
0x54: {  	_ =	shalt  }
0x55: {  	_ =	shalt  }
0x56: {  	_ =	shalt  }
0x57: {  	_ =	shalt  }
0x58: {  	_ =	shalt  }
0x59: {  	_ =	shalt  }
0x5a: {  	_ =	shalt  }
0x5b: {  	_ =	shalt  }
0x5c: {  	_ =	shalt  }
0x5d: {  	_ =	shalt  }
0x5e: {  	_ =	shalt  }
0x5f: {  	_ =	shalt  }
0x60: {  	_ =	shalt  }
0x61: {  	_ =	shalt  }
0x62: {  	_ =	shalt  }
0x63: {  	_ =	shalt  }
0x64: {  	_ =	shalt  }
0x65: {  	_ =	shalt  }
0x66: {  	_ =	shalt  }
0x67: {  	_ =	shalt  }
0x68: {  	_ =	shalt  }
0x69: {  	_ =	shalt  }
0x6a: {  	_ =	shalt  }
0x6b: {  	_ =	shalt  }
0x6c: {  	_ =	shalt  }
0x6d: {  	_ =	shalt  }
0x6e: {  	_ =	shalt  }
0x6f: {  	_ =	shalt  }
0x70: {  	_ =	shalt  }
0x71: {  	_ =	shalt  }
0x72: {  	_ =	shalt  }
0x73: {  	_ =	shalt  }
0x74: {  	_ =	shalt  }
0x75: {  	_ =	shalt  }
0x76: {  	_ =	shalt  }
0x77: {  	_ =	shalt  }
0x78: {  	_ =	shalt  }
0x79: {  	_ =	shalt  }
0x7a: {  	_ =	shalt  }
0x7b: {  	_ =	shalt  }
0x7c: {  	_ =	shalt  }
0x7d: {  	_ =	shalt  }
0x7e: {  	_ =	shalt  }
0x7f: {  	_ =	shalt  }
0x80: {  	_ =	shalt  }
0x81: {  	_ =	shalt  }
0x82: {  	_ =	shalt  }
0x83: {  	_ =	shalt  }
0x84: {  	_ =	shalt  }
0x85: {  	_ =	shalt  }
0x86: {  	_ =	shalt  }
0x87: {  	_ =	shalt  }
.Lfunc_end0:
.L_simem_size_0:
called_computation_lowered:
.L_overlay_start_0:
0x88: {  	s2 =	sld [smem:$0x3FD9]  }
0x89: {  	s3 =	sld [smem:$0x3FFE];
	_ =	sdelay $0x1  }
0x8a: {  	s1 =	srdreg.scid  }
0x8b: {  	s0 =	sand.u32 $0x1, s1  }
0x8c: {  	s16 =	sshll.u32 s0, $0xA;
	s2 =	sadd.s32 s3, s2  }
0x8d: {  	s2 =	sadd.s32 s2, s16  }
0x8e: {  	[smem:$0x3FC6] =	sst s2  }
0x8f: {  	_ = 	snop  }
0x90: {  	(tm) =	ssettm $0x1  }
0x91: {  	s17 =	sld [smem:$0x3FFB];
	_ =	sdelay $0x3  }
0x92: {  	_ =	strace s17  }
0x93: {  	s2 =	sld [smem:$0x3FFC];
	_ =	sdelay $0x3  }
0x94: {  	_ =	strace s2  }
0x95: {  	s2 =	sld [smem:$0x3FFD];
	_ =	sdelay $0x3  }
0x96: {  	_ =	strace s2  }
0x97: {  	_ =	strace $0x8FFFFFFF  }
0x98: {  	s18 =	sld [smem:$0x3FDB];
	_ =	sdelay $0x1  }
0x99: {  	s19 =	simm.s32 $_scs_section_size  }
0x9a: {  	s4 =	simm.s32 $_size__tile_overlayer_lowered;
	s5 =	simm.s32 $_tile_overlayer_lowered  }
0x9b: {  	s22 =	simm.s32 $0x1BFF;
	s21 =	sshll.u32 s5, $0x1;
	s2 =	sadd.s32 s19, s18  }
0x9c: {  	s6 =	simm.s32 $0x0;
	s20 =	sshll.u32 s4, $0x1;
	s4 =	sadd.s32 s21, s2  }
0x9d: {  	[timem:s6], [sflag:s22] =	dma.local [hbm:s4], s20  }
0x9e: {  	_ =	swait.ge [sflag:s22], s20  }
0x9f: {  	s3 =	ssub.s32 $0x0, s20;
	[sflag:s22] =	ssyncset.done $0x0  }
0xa0: {  	[sflag:s22] =	ssyncadd.s32 s3;
	_ =	sdelay $0x1  }
0xa1: {  	s23 =	simm.s32 $0x1B8B  }
0xa2: {  	_ =	swait.ge [sflag:s23], $0x1  }
0xa3: {  	[sflag:s23] =	ssyncset.done $0x0  }
0xa4: {  	s25 =	simm.s32 $0x1B8E;
	s24 =	sld [smem:$0x3FFE];
	[sflag:s23] =	ssyncadd.s32 $0xFFFFFFFF  }
0xa5: {  	s26 =	simm.s32 $execute0_lowered;
	[smem:$0x3FD2] =	sst s25  }
0xa6: {  	s4 =	sshll.u32 s26, $0x1;
	_ =	strace $0x80000046;
	[dreg:$0x1] =	wrdreg $0xFFFFFFFF  }
0xa7: {  	s28 =	simm.s32 $_size_execute0_lowered;
	s2 =	sadd.s32 s2, s4;
	[dreg:$0x0] =	wrdreg $0x0  }
0xa8: {  	s4 =	sshll.u32 s28, $0x1;
	[dreg:$0x2] =	wrdreg s2  }
0xa9: {  	[dreg:$0x3] =	wrdreg s4  }
0xaa: {  	[dreg:$0x4] =	wrdreg $0xC0  }
0xab: {  	_ =	task [dreg:s6], $0x5FFFF  }
0xac: {  	[dreg:$0x1] =	wrdreg $0xFFFFFFFF  }
0xad: {  	[dreg:$0x0] =	wrdreg $0x60  }
0xae: {  	[dreg:$0x2] =	wrdreg s24  }
0xaf: {  	[dreg:$0x3] =	wrdreg $0x9  }
0xb0: {  	_ =	task.clear_ibuf [dreg:s6], $0x4FFFF;
	_ =	strace $0x90000046  }
0xb1: {  	s29 =	simm.s32 $0x9;
	_ =	strace $0x80000048  }
0xb2: {  	_ =	swait.ge [sflag:s29], $0x1  }
0xb3: {  	[sflag:s29] =	ssyncadd.s32 $0xFFFFFFFF  }
0xb4: {  	_ =	strace $0x90000048  }
0xb5: {  	_ =	sfence  }
0xb6: {  	s30 =	sld [smem:$0x0];
	_ =	sdelay $0x2  }
0xb7: {  	s31 =	sshll.u32 s1, $0xD;
	s1 =	sshrl.u32 s1, $0x2  }
0xb8: {  	s3 =	sand.u32 $0x4000, s31;
	s1 =	sadd.s32 s1, s30  }
0xb9: {  	s0 =	sor.u32 s3, s0;
	s1 =	sshll.u32 s1, $0x11  }
0xba: {  	s0 =	sor.u32 s1, s0  }
0xbb: {  	s0 =	sadd.s32 $0x8F2B, s0  }
0xbc: {  	[sflag:s0] =	ssyncadd.remote.s32 $0x1  }
0xbd: {  	_ =	sfence.sel $0xFFFF  }
0xbe: {  	[dreg:$0x0] =	wrdreg $0xFFFFFFFF;
	(pc) =	sbr.abs _section_cstart, $3  }
0xbf: {  	[dreg:$0x1] =	wrdreg $0xFFFFFFFF  }
0xc0: {  	_ =	task.clear_ibuf [dreg:s6], $0x2FFFF;
	_ =	strace $0x9FFFFFFF  }
0xc1: {  	(tm) =	ssettm $0x7FFFFFFF  }
tec
execute0_lowered:
.L_overlay_start_1:
0x0: {  	(tag) =	ssettag $0x1  }
0x1: {  	s3 =	rddreg [dreg:$0x0]  }
0x2: {  	s0 =	rddreg [dreg:$0x1]  }
0x3: {  	s4 =	srdreg.scid;
	s2 =	simm.s32 $0x0;
	s1 =	stileid.u32  }
0x4: {  	s8 =	simm.s32 $0x10000;
	s9 =	simm.s32 $0x12000;
	s4 =	sand.u32 $0x1, s4  }
0x5: {  	[smem:$0x7FF] =	sst s2;
	s5 =	sshll.u32 s1, $0x8;
	s6 =	sshll.u32 s4, $0x7  }
0x6: {  	v1 =	vlaneseq.u32;
	s10 =	simm.s32 $0x0;
	_ =	strace $0x80000047;
	s5 =	sor.u32 s6, s5  }
0x7: {  	v0 =	vand.u32 $0x7, v1;
	s4 =	ssub.s32 $0x2, s4;
	s6 =	sshll.u32 s5, $0x6;
	s5 =	sshll.u32 s5, $0x3  }
0x8: {  	v1 =	vshrl.u32 v1, $0x3;
	v2 =	vmul.u32 $0x8, v0;
	s31 =	sshrl.u32 s4, $0x1;
	s6 =	sadd.s32 s6, s3;
	s5 =	sadd.s32 s5, s3  }
0x9: {  	v3 =	vmul.u32 $0x8, v1;
	s7 =	ssub.s32 s4, s31;
	s3 =	sadd.s32 $0x400600, s6;
	s4 =	sadd.s32 $0x600, s5  }
0xa: {  	v4 =	vor.u32 $0x1, v2;
	v5 =	vor.u32 $0x2, v2;
	v6 =	vor.u32 $0x3, v2;
	s5 =	sadd.s32 $0x8600, s5;
	s6 =	smax.u32 s7, $0x1;
	s7 =	simm.s32 $0x1  }
.LBB2_1:
0xb: {  	[tilespmem:s2], [sflag:$0x1] =	stream.linear.gather [hbm4b:s3+s2], $0x10000, $0x38;
	[tilespmem:$0x14018] =	vst v63  }
0xc: {  	_ =	swait.ge [sflag:s7], $0x10000  }
0xd: {  	[sflag:s7] =	ssyncset.done $0x0  }
0xe: {  	[sflag:s7] =	ssyncadd.s32 $0xFFFF0000  }
0xf: {  	[tilespmem:s8], [sflag:$0x1] =	stream.linear.gather [hbm4b:s4+s2], $0x2000, $0x38;
	[tilespmem:$0x14018] =	vst v63  }
0x10: {  	_ =	swait.ge [sflag:s7], $0x2000  }
0x11: {  	[sflag:s7] =	ssyncset.done $0x0  }
0x12: {  	s11 =	simm.s32 $0x0;
	[sflag:s7] =	ssyncadd.s32 $0xFFFFE000  }
.LBB2_2:
0x13: {  	s12 =	simm.s32 $0x2  }
0x14: {  	v7 =	vmov s11;
	v9 =	vmov s12  }
0x15: {  	s13 =	simm.s32 $0x0;
	v8 =	vshll.u32 v7, $0x9;
	v7 =	vshll.u32 v7, $0x6;
	v9 =	vshll.u32 v9, $0x3  }
0x16: {  	v11 =	vmov s13;
	v8 =	vor.u32 v0, v8;
	v10 =	vor.u32 v3, v9  }
0x17: {  	v11 =	vshll.u32 v11, $0x3;
	v9 =	vor.u32 v1, v7;
	v10 =	vadd.s32 v8, v10  }
0x18: {  	s14 =	simm.s32 $0x4;
	v11 =	vor.u32 v3, v11;
	v13 =	vor.u32 s13, v9  }
0x19: {  	v12 =	vmov s14;
	v11 =	vadd.s32 v8, v11  }
0x1a: {  	v12 =	vshll.u32 v12, $0x3  }
0x1b: {  	v12 =	vor.u32 v3, v12  }
0x1c: {  	v12 =	vadd.s32 v8, v12;
	v15 =	vld.idx.msk [tilespmem:v10+s2+$0x0], $0xffff  }
0x1d: {  	s31 =	simm.s32 $0x6;
	v16 =	vld.idx.msk [tilespmem:v13+s8+$0x0], $0xffff  }
0x1e: {  	v14 =	vmov s31;
	v13 =	vld.idx.msk [tilespmem:v11+s2+$0x0], $0xffff  }
0x1f: {  	v10 =	vshll.u32 v14, $0x3  }
0x20: {  	v25 =	vimm.f32 $+Inf;
	v17 =	vor.u32 s12, v9;
	v10 =	vor.u32 v3, v10  }
0x21: {  	v18 =	vor.u32 s14, v9;
	v23 =	vor.u32 s31, v9;
	v14 =	vadd.s32 v8, v10;
	v10 =	vld.idx.msk [tilespmem:v12+s2+$0x0], $0xffff  }
0x22: {  	v11 =	vimm.f32 $+Inf;
	v12 =	vand.u32 $0x4, v15;
	v19 =	vand.u32 $0x2, v15  }
0x23: {  	v20 =	vand.u32 $0x1, v15;
	v15 =	vand.u32 $0x8, v15;
	v22 =	vand.u32 $0x2, v13  }
0x24: {  	vm0 =	veq.s32 v19, $0x0;
	vm2 =	veq.s32 v20, $0x0;
	v19 =	vmin.f32 v11, v16  }
0x25: {  	vm7 =	veq.s32 v15, $0x0;
	vm4 =	veq.s32 v12, $0x0;
	v15 =	vand.u32 $0x4, v13;
	v12 =	vld.idx.msk [tilespmem:v17+s8+$0x0], $0xffff  }
0x26: {  	v20 =	vld.idx.msk [tilespmem:v14+s2+$0x0], $0xffff;
	v14 =	vand.u32 $0x8, v13;
	v17 =	vand.u32 $0x2, v10;
	vm8 =	veq.s32 v15, $0x0  }
0x27: {  	v15 =	vimm.f32 $+Inf;
	vm1 =	veq.s32 v14, $0x0;
	v14 =	vand.u32 $0x1, v13  }
0x28: {  	v13 =	vand.u32 $0x8, v10;
	v27 =	vsel vm8, v19, v11;
	v28 =	vsel vm1, v19, v11  }
0x29: {  	v29 =	vsel vm1, v11, v19;
	vm1 =	veq.s32 v17, $0x0;
	vm5 =	veq.s32 v14, $0x0  }
0x2a: {  	vm6 =	veq.s32 v13, $0x0;
	v14 =	vimm.f32 $+Inf;
	v24 =	vsel vm5, v11, v19  }
0x2b: {  	v31 =	vmin.f32 v29, v12;
	v30 =	vmin.f32 v28, v12;
	v13 =	vand.u32 $0x4, v20  }
0x2c: {  	s12 =	simm.s32 $0x8;
	v21 =	vmovc v19;
	v26 =	vmin.f32 v24, v12;
	v17 =	vand.u32 $0x1, v20;
	vm3 =	veq.s32 v13, $0x0;
	v13 =	vld.idx.msk [tilespmem:v18+s8+$0x0], $0xffff;
	v18 =	vmovc v19  }
.LBB2_3:
0x2d: {  	s13 =	sadd.s32 $0x4, s12  }
0x2e: {  	p0 =	sne.s32 s12, $0x38;
	v29 =	vsel vm7, v29, v31;
	v24 =	vsel vm2, v24, v26;
	v26 =	vand.u32 $0x2, v20;
	s14 =	smov.u32 s12;
	s12 =	sadd.s32 $0x8, s12  }
0x2f: {  	v11 =	vsel vm5, v19, v11;
	v19 =	vand.u32 $0x8, v20;
	v31 =	vmov s13  }
0x30: {  	v16 =	vmin.f32 v25, v16;
	v20 =	vmin.f32 v27, v12;
	v32 =	vmin.f32 v11, v12  }
0x31: {  	v28 =	vsel vm7, v30, v28;
	v30 =	vand.u32 $0x4, v10;
	v10 =	vand.u32 $0x1, v10  }
0x32: {  	v16 =	vsel vm8, v25, v16;
	v11 =	vsel vm2, v32, v11;
	v25 =	vmin.f32 v24, v13;
	v23 =	vld.idx.msk [tilespmem:v23+s8+$0x0], $0xffff  }
0x33: {  	v20 =	vsel vm4, v20, v27;
	v27 =	vmin.f32 v16, v12;
	v32 =	vmin.f32 v11, v13  }
0x34: {  	vm5 =	veq.s32 v30, $0x0;
	v16 =	vsel vm4, v16, v27;
	v27 =	vmin.f32 v20, v13  }
0x35: {  	vm7 =	veq.s32 v22, $0x0;
	vm8 =	veq.s32 v10, $0x0;
	vm2 =	veq.s32 v26, $0x0  }
0x36: {  	vm4 =	veq.s32 v17, $0x0;
	v10 =	vsel vm5, v27, v20;
	v11 =	vsel vm8, v32, v11  }
0x37: {  	v14 =	vsel vm7, v21, v14;
	v15 =	vsel vm7, v15, v18;
	v17 =	vmin.f32 v29, v13  }
0x38: {  	v17 =	vsel vm6, v29, v17;
	v18 =	vsel vm8, v24, v25;
	v20 =	vmin.f32 v11, v23  }
0x39: {  	v21 =	vmin.f32 v14, v12;
	v22 =	vmin.f32 v28, v13;
	v24 =	vmin.f32 v17, v23  }
0x3a: {  	s15 =	sadd.s32 $0x2, s14;
	v12 =	vmin.f32 v15, v12;
	v22 =	vsel vm6, v22, v28;
	vm6 =	veq.s32 v19, $0x0  }
0x3b: {  	v19 =	vmov s15;
	v25 =	vmin.f32 v16, v13;
	v26 =	vmin.f32 v22, v23  }
0x3c: {  	v19 =	vshll.u32 v19, $0x3;
	v22 =	vsel vm6, v26, v22;
	v26 =	vmin.f32 v18, v23  }
0x3d: {  	v19 =	vor.u32 v3, v19;
	v27 =	vmin.f32 v10, v23;
	v26 =	vsel vm4, v18, v26  }
0x3e: {  	v12 =	vsel vm0, v15, v12;
	v18 =	vadd.s32 v8, v19;
	v19 =	vor.u32 s15, v9  }
0x3f: {  	v15 =	vmov s14;
	v28 =	vshll.u32 v31, $0x3;
	v29 =	vmin.f32 v12, v13  }
0x40: {  	v30 =	vor.u32 s14, v9;
	v14 =	vsel vm0, v21, v14;
	v15 =	vshll.u32 v15, $0x3  }
0x41: {  	v13 =	vmin.f32 v14, v13;
	v15 =	vor.u32 v3, v15;
	v21 =	vor.u32 v3, v28  }
0x42: {  	v12 =	vsel vm1, v12, v29;
	v15 =	vadd.s32 v8, v15;
	v21 =	vadd.s32 v8, v21  }
0x43: {  	s14 =	sadd.s32 $0x6, s14;
	v13 =	vsel vm1, v13, v14;
	v17 =	vsel vm6, v17, v24;
	v24 =	vmin.f32 v12, v23;
	v18 =	vld.idx.msk [tilespmem:v18+s2+$0x0], $0xffff  }
0x44: {  	v14 =	vmov s14;
	v25 =	vsel vm5, v16, v25;
	v28 =	vmin.f32 v13, v23  }
0x45: {  	v14 =	vshll.u32 v14, $0x3;
	v27 =	vsel vm3, v27, v10;
	v10 =	vmin.f32 v25, v23;
	v16 =	vld.idx.msk [tilespmem:v30+s8+$0x0], $0xffff  }
0x46: {  	v23 =	vor.u32 v3, v14;
	v14 =	vsel vm2, v28, v13;
	v11 =	vsel vm4, v20, v11  }
0x47: {  	v20 =	vadd.s32 v8, v23;
	v25 =	vsel vm3, v25, v10;
	v13 =	vld.idx.msk [tilespmem:v15+s2+$0x0], $0xffff;
	v15 =	vsel vm2, v12, v24  }
0x48: {  	v23 =	vor.u32 s14, v9;
	v30 =	vor.u32 s13, v9;
	v10 =	vld.idx.msk [tilespmem:v21+s2+$0x0], $0xffff  }
0x49: {  	v12 =	vand.u32 $0x4, v18;
	v21 =	vand.u32 $0x2, v18;
	v24 =	vand.u32 $0x1, v18  }
0x4a: {  	v18 =	vand.u32 $0x8, v18;
	vm0 =	veq.s32 v21, $0x0;
	vm2 =	veq.s32 v24, $0x0  }
0x4b: {  	vm7 =	veq.s32 v18, $0x0;
	vm4 =	veq.s32 v12, $0x0;
	v24 =	vmin.f32 v27, v16  }
0x4c: {  	v28 =	vmin.f32 v22, v16;
	v29 =	vmin.f32 v17, v16;
	v18 =	vmin.f32 v15, v16;
	v20 =	vld.idx.msk [tilespmem:v20+s2+$0x0], $0xffff  }
0x4d: {  	v21 =	vmin.f32 v14, v16;
	v31 =	vand.u32 $0x8, v13;
	v32 =	vand.u32 $0x4, v13;
	v12 =	vld.idx.msk [tilespmem:v19+s8+$0x0], $0xffff  }
0x4e: {  	vm1 =	veq.s32 v31, $0x0;
	v19 =	vand.u32 $0x1, v13;
	v31 =	vand.u32 $0x2, v10  }
0x4f: {  	v28 =	vsel vm1, v28, v22;
	v29 =	vsel vm1, v17, v29;
	vm1 =	veq.s32 v31, $0x0  }
.Ltmp0:
0x50: {  	v22 =	vand.u32 $0x2, v13;
	vm5 =	veq.s32 v19, $0x0;
	v13 =	vand.u32 $0x8, v10;
	(pc) =	sbr.rel @p0 .LBB2_3-.Ltmp0, $4  }
0x51: {  	vm8 =	veq.s32 v32, $0x0;
	v17 =	vmin.f32 v26, v16;
	vm6 =	veq.s32 v13, $0x0  }
0x52: {  	v27 =	vsel vm8, v24, v27;
	v19 =	vmin.f32 v11, v16;
	v32 =	vand.u32 $0x4, v20  }
0x53: {  	v24 =	vsel vm5, v26, v17;
	v31 =	vmin.f32 v29, v12;
	vm3 =	veq.s32 v32, $0x0;
	v13 =	vld.idx.msk [tilespmem:v30+s8+$0x0], $0xffff  }
0x54: {  	v17 =	vand.u32 $0x1, v20;
	v26 =	vmin.f32 v24, v12;
	v30 =	vmin.f32 v28, v12  }
0x55: {  	_ =	sdelay $0x3  }
0x56: {  	v8 =	vld.idx.msk [tilespmem:v23+s8+$0x0], $0xffff;
	_ =	sdelay $0x1  }
0x57: {  	v9 =	vsel vm7, v30, v28  }
0x58: {  	v36 =	vsel vm7, v29, v31;
	v35 =	vmin.f32 v9, v13  }
0x59: {  	v37 =	vand.u32 $0x8, v20;
	v38 =	vmin.f32 v36, v13;
	v9 =	vsel vm6, v35, v9  }
0x5a: {  	vm10 =	veq.s32 v37, $0x0;
	v23 =	vsel vm6, v36, v38;
	v39 =	vmin.f32 v9, v8  }
0x5b: {  	v28 =	vmin.f32 v23, v8;
	v9 =	vsel vm10, v39, v9  }
0x5c: {  	v23 =	vsel vm10, v23, v28;
	[tilespmem:$0x14000] =	vst v9  }
0x5d: {  	v40 =	vld [tilespmem:$0x14008];
	[tilespmem:$0x14000] =	vst v23  }
0x5e: {  	v41 =	vld [tilespmem:$0x14008];
	_ =	sdelay $0x4  }
0x5f: {  	v9 =	vmin.f32 v9, v40;
	v23 =	vmin.f32 v23, v41  }
0x60: {  	v16 =	vmin.f32 v25, v16;
	v42 =	vmin.f32 v27, v12;
	v9 =	vsub.f32 v9, v23  }
0x61: {  	v43 =	vand.u32 $0x4, v10;
	v44 =	vor.u32 v2, v7;
	v16 =	vsel vm8, v25, v16  }
0x62: {  	v25 =	vmin.f32 v16, v12;
	v23 =	vsel vm4, v42, v27;
	v9 =	vmul.f32 $5.000000000e-01, v9  }
0x63: {  	vm11 =	veq.s32 v43, $0x0;
	v16 =	vsel vm4, v16, v25;
	v27 =	vmin.f32 v23, v13  }
0x64: {  	v25 =	vmin.f32 v16, v13;
	v23 =	vsel vm11, v27, v23;
	v9 =	vmax.f32 v9, $-2.000000000e+01  }
0x65: {  	v16 =	vsel vm11, v16, v25;
	v27 =	vmin.f32 v23, v8;
	v9 =	vmin.f32 v9, $2.000000000e+01  }
0x66: {  	v45 =	vmin.f32 v16, v8;
	v23 =	vsel vm3, v27, v23;
	[tilespmem:v44+s9+$0x0] =	vst.idx.msk $0xff, v9  }
0x67: {  	v9 =	vsel vm3, v16, v45;
	[tilespmem:$0x14000] =	vst v23  }
0x68: {  	v46 =	vld [tilespmem:$0x14008];
	[tilespmem:$0x14000] =	vst v9  }
0x69: {  	v47 =	vld [tilespmem:$0x14008];
	_ =	sdelay $0x4  }
0x6a: {  	vm12 =	veq.s32 v22, $0x0;
	v16 =	vmin.f32 v23, v46;
	v9 =	vmin.f32 v9, v47  }
0x6b: {  	v48 =	vand.u32 $0x2, v20;
	v14 =	vsel vm12, v21, v14;
	v9 =	vsub.f32 v16, v9  }
0x6c: {  	v50 =	vor.u32 v4, v7;
	v15 =	vsel vm12, v15, v18;
	v49 =	vmin.f32 v14, v12  }
0x6d: {  	v51 =	vmin.f32 v15, v12;
	v14 =	vsel vm0, v49, v14;
	v9 =	vmul.f32 $5.000000000e-01, v9  }
0x6e: {  	vm13 =	veq.s32 v48, $0x0;
	v15 =	vsel vm0, v15, v51;
	v52 =	vmin.f32 v14, v13  }
0x6f: {  	v14 =	vsel vm1, v52, v14;
	v16 =	vmin.f32 v15, v13;
	v9 =	vmax.f32 v9, $-2.000000000e+01  }
0x70: {  	v18 =	vmin.f32 v14, v8;
	v15 =	vsel vm1, v15, v16;
	v9 =	vmin.f32 v9, $2.000000000e+01  }
0x71: {  	v14 =	vsel vm13, v18, v14;
	v53 =	vmin.f32 v15, v8;
	[tilespmem:v50+s9+$0x0] =	vst.idx.msk $0xff, v9  }
0x72: {  	v9 =	vsel vm13, v15, v53;
	[tilespmem:$0x14000] =	vst v14  }
0x73: {  	v54 =	vld [tilespmem:$0x14008];
	[tilespmem:$0x14000] =	vst v9  }
0x74: {  	v55 =	vld [tilespmem:$0x14008];
	_ =	sdelay $0x4  }
0x75: {  	v14 =	vmin.f32 v14, v54;
	v9 =	vmin.f32 v9, v55  }
0x76: {  	v11 =	vsel vm5, v19, v11;
	v9 =	vsub.f32 v14, v9  }
0x77: {  	v57 =	vor.u32 v5, v7;
	v58 =	vand.u32 $0x1, v10;
	v56 =	vmin.f32 v11, v12  }
0x78: {  	v59 =	vsel vm2, v24, v26;
	v11 =	vsel vm2, v56, v11;
	v9 =	vmul.f32 $5.000000000e-01, v9  }
0x79: {  	vm15 =	veq.s32 v17, $0x0;
	vm14 =	veq.s32 v58, $0x0;
	v60 =	vmin.f32 v11, v13  }
0x7a: {  	v61 =	vmin.f32 v59, v13;
	v11 =	vsel vm14, v60, v11;
	v9 =	vmax.f32 v9, $-2.000000000e+01  }
0x7b: {  	v10 =	vsel vm14, v59, v61;
	v62 =	vmin.f32 v11, v8;
	v9 =	vmin.f32 v9, $2.000000000e+01  }
0x7c: {  	v11 =	vsel vm15, v62, v11;
	v8 =	vmin.f32 v10, v8;
	[tilespmem:v57+s9+$0x0] =	vst.idx.msk $0xff, v9  }
0x7d: {  	v8 =	vsel vm15, v10, v8;
	[tilespmem:$0x14000] =	vst v11  }
0x7e: {  	v9 =	vld [tilespmem:$0x14008];
	[tilespmem:$0x14000] =	vst v8  }
0x7f: {  	v63 =	vld [tilespmem:$0x14008];
	_ =	sdelay $0x4  }
0x80: {  	v9 =	vmin.f32 v11, v9;
	v8 =	vmin.f32 v8, v63  }
0x81: {  	s11 =	sadd.s32 $0x1, s11;
	v8 =	vsub.f32 v9, v8  }
0x82: {  	v7 =	vor.u32 v6, v7;
	p0 =	sne.s32 s11, $0x80  }
.Ltmp1:
0x83: {  	v8 =	vmul.f32 $5.000000000e-01, v8;
	(pc) =	sbr.rel @p0 .LBB2_2-.Ltmp1, $4  }
0x84: {  	_ = 	snop  }
0x85: {  	v8 =	vmax.f32 v8, $-2.000000000e+01  }
0x86: {  	v8 =	vmin.f32 v8, $2.000000000e+01  }
0x87: {  	[tilespmem:v7+s9+$0x0] =	vst.idx.msk $0xff, v8  }
0x88: {  	s10 =	sadd.s32 $0x1, s10  }
0x89: {  	p0 =	sne.s32 s10, s6  }
.Ltmp2:
0x8a: {  	_ = 	snop;
	(pc) =	sbr.rel @p0 .LBB2_1-.Ltmp2, $4  }
0x8b: {  	[hbm4b:s5+s2] =	stream.linear.scatter [tilespmem:s9], [sflag:$0x1], $0x2000, $0x38;
	[tilespmem:$0x14018] =	vst v63  }
0x8c: {  	_ =	swait.ge [sflag:s7], $0x2000  }
0x8d: {  	[sflag:s7] =	ssyncset.done $0x0  }
0x8e: {  	[sflag:s7] =	ssyncadd.s32 $0xFFFFE000  }
0x8f: {  	_ =	sfence.sel $0x180000  }
0x90: {  	[bflag:$0x0] =	sbarrier.arrive $0xFFFF  }
0x91: {  	p0 =	sne.s32 s1, $0x0;
	_ =	strace $0x90000047  }
0x92: {  	s0 =	sadd.s32 @!p0 $0x100000, s0;
	[bflag:$0x2] =	sbarrier.arrive $0xFFFF  }
0x93: {  	[sflag:s0] =	ssyncadd.tile.s32 @!p0 $0x1;
	_ =	shalt  }
.Lfunc_end2:
_tile_overlayer_lowered:
.L_overlay_start_2:
0x94: {  	(tag) =	ssettag $0x2  }
0x95: {  	s0 =	rddreg [dreg:$0x0];
	s2 =	stileid.u32  }
0x96: {  	s1 =	rddreg [dreg:$0x1];
	p0 =	sne.s32 s2, $0x0  }
0x97: {  	s3 =	rddreg [dreg:$0x2];
	[bflag:$0x3] =	sbarrier.arrive $0xFFFF;
	s2 =	simm.s32 @!p0 $0x1C01  }
0x98: {  	[timem:s3], [sflag:s2] =	dma.local @!p0 [hbm:s0], s1  }
0x99: {  	s0 =	simm.s32 @!p0 $0x1  }
0x9a: {  	_ =	swait.ge @!p0 [sflag:s0], s1  }
0x9b: {  	s1 =	ssub.s32 @!p0 $0x0, s1;
	[sflag:s0] =	ssyncset.done @!p0 $0x0  }
0x9c: {  	[sflag:s0] =	ssyncadd.s32 @!p0 s1  }
0x9d: {  	[bflag:$0x3] =	sbarrier.arrive $0xFFFF  }
0x9e: {  	_ =	shalt  }

</sc_bundles>
